<compile_context>
chip_gen: v7x
topology: tpu7x:2x2x1
jax: 0.10.2.dev20260603
libtpu: 0.0.44.dev20260713+nightly
codegen_flags: <defaults>
</compile_context>

<pallas_src>
import functools

import jax
import jax.numpy as jnp
from jax import lax
from jax.experimental import pallas as pl
from jax.experimental.pallas import tpu as pltpu
from jax.experimental.pallas import tpu_sc as plsc

_K = 8
_H = 16
_T = 2048
_S = 2048
_SAMPLED_HEAD = 12
_L = 16
_NCHUNK = _S // _L
_BR = 1024
_NB = (_H * _T) // _BR

_MESH = plsc.VectorSubcoreMesh(
    core_axis_name="c", subcore_axis_name="s", num_cores=1, num_subcores=16
)


def _sc_slice_kernel(aw_hbm, newx_hbm, row_v, r12_v, pub_v, all_v, shared,
                     sem_a, sem_b):
    sid = lax.axis_index("s")

    own_cp = pltpu.make_async_copy(aw_hbm.at[sid, _T - 1], row_v, sem_a)
    own_cp.start()
    r12_cp = pltpu.make_async_copy(
        aw_hbm.at[_SAMPLED_HEAD, _T - 1], r12_v, sem_b
    )
    r12_cp.start()
    own_cp.wait()

    lanes = lax.iota(jnp.int32, _L)

    def body(j, carry):
        best_val, best_idx = carry
        v = row_v[pl.ds(j * _L, _L)]
        cur_idx = j * _L + lanes
        take = v > best_val
        return (
            jnp.where(take, v, best_val),
            jnp.where(take, cur_idx, best_idx),
        )

    best_val, best_idx = lax.fori_loop(
        0,
        _NCHUNK,
        body,
        (jnp.full((_L,), -jnp.inf, jnp.float32), jnp.zeros((_L,), jnp.int32)),
    )
    m = jnp.max(best_val)
    arg = jnp.min(jnp.where(best_val == m, best_idx, _S))

    pub_v[...] = jnp.full((_L,), arg, jnp.int32)
    pltpu.sync_copy(pub_v, shared.at[sid])
    plsc.subcore_barrier()
    pltpu.sync_copy(shared, all_v)

    argvec = plsc.load_gather(all_v, [lanes, lanes])
    counts = jnp.zeros((_L,), jnp.int32)
    for j in range(_H):
        counts = counts + jnp.where(argvec == all_v[j], 1, 0)
    cond = jnp.max(counts) <= _K

    r12_cp.wait()

    @pl.when(cond)
    def _():
        pltpu.sync_copy(r12_v, newx_hbm.at[sid])

    @pl.when(jnp.logical_not(cond))
    def _():
        pltpu.sync_copy(row_v, newx_hbm.at[sid])


_sc_slice = functools.partial(
    pl.kernel,
    out_type=jax.ShapeDtypeStruct((_H, _S), jnp.float32),
    mesh=_MESH,
    compiler_params=pltpu.CompilerParams(needs_layout_passes=False),
    scratch_types=[
        pltpu.VMEM((_S,), jnp.float32),
        pltpu.VMEM((_S,), jnp.float32),
        pltpu.VMEM((_L,), jnp.int32),
        pltpu.VMEM((_H, _L), jnp.int32),
        pltpu.VMEM_SHARED((_H, _L), jnp.int32),
        pltpu.SemaphoreType.DMA,
        pltpu.SemaphoreType.DMA,
    ],
)(_sc_slice_kernel)


def _copy_kernel(flat_ref, out_ref):
    out_ref[...] = flat_ref[...]


_SLAB = 8


def _patch_kernel(slab_ref, newx_ref, out_ref):
    slab = slab_ref[...]
    t_idx = jax.lax.broadcasted_iota(jnp.int32, slab.shape, 1)
    out_ref[...] = jnp.where(
        t_idx == _SLAB - 1, newx_ref[...][:, None, :], slab
    )


def kernel(attention_weight):
    aw3 = attention_weight.reshape(_H, _T, _S)
    flat = attention_weight.reshape(_H * _T, _S)
    newx = _sc_slice(aw3)
    tmp = pl.pallas_call(
        _copy_kernel,
        grid=(_NB,),
        in_specs=[pl.BlockSpec((_BR, _S), lambda i: (i, 0))],
        out_specs=pl.BlockSpec((_BR, _S), lambda i: (i, 0)),
        out_shape=jax.ShapeDtypeStruct((_H * _T, _S), jnp.float32),
        compiler_params=pltpu.CompilerParams(
            dimension_semantics=("arbitrary",),
        ),
    )(flat)
    blk = (_H, _SLAB, _S)
    last_blk = (_T - _SLAB) // _SLAB
    out = pl.pallas_call(
        _patch_kernel,
        grid=(1,),
        in_specs=[
            pl.BlockSpec(blk, lambda i: (0, last_blk, 0)),
            pl.BlockSpec((_H, _S), lambda i: (0, 0)),
        ],
        out_specs=pl.BlockSpec(blk, lambda i: (0, last_blk, 0)),
        out_shape=jax.ShapeDtypeStruct((_H, _T, _S), jnp.float32),
        input_output_aliases={0: 0},
    )(tmp.reshape(_H, _T, _S), newx)
    return out.reshape(1, _H, _T, _S)

# --- scband reference (transcript-rebuilt; emitter-appended) ---
"""Pipeline reference for scband-sample-policy-32212254720297 (READ-ONLY COPY).

The authoritative reference and input builder live on the scoring server;
editing this copy changes nothing except your own understanding.
"""

import jax, jax.numpy as jnp
import numpy as np

K = 8
HEAD_NUM = 16


def setup_inputs(seed: int = 0) -> dict:
    key = jax.random.key(seed)
    attention_weight = jax.random.uniform(key, (1, 16, 2048, 2048), dtype=jnp.float32)
    return {"attention_weight": attention_weight}


def reference(attention_weight):
    # torch: attention_weight.transpose(1, 2)  -> [B, T, H, S]
    aw = jnp.swapaxes(attention_weight, 1, 2)
    time_step = aw.shape[1]
    src_len = aw.shape[3]
    counting = jnp.zeros((src_len,), dtype=jnp.float32)
    for h in range(HEAD_NUM):
        # argmax over source positions for last timestep, head h -> [B]
        candidate = jnp.argmax(aw[:, time_step - 1, h], axis=-1)
        # torch counting[candidate] += 1 uses non-accumulating index_put;
        # duplicates effectively increment once -> replicate with gather+set
        counting = counting.at[candidate].set(counting[candidate] + 1.0)
    cond = jnp.max(counting) <= K
    np.random.seed(0)
    sampled_head = int(np.random.randint(low=0, high=HEAD_NUM, size=1)[0])
    # aw[:, T-1, sampled_head] has shape [B, S]; torch indexes with a size-1
    # array giving [B, 1, S], broadcast-assigned to [B, H, S]
    new_slice = jnp.broadcast_to(
        aw[:, time_step - 1, sampled_head][:, None, :], aw[:, time_step - 1].shape
    )
    aw = aw.at[:, time_step - 1].set(
        jnp.where(cond, new_slice, aw[:, time_step - 1])
    )
    # transpose back -> [B, H, T, S]
    return jnp.swapaxes(aw, 1, 2)

if __name__ == "__main__":
    import jax
    _d = setup_inputs()
    print(jax.jit(kernel)(*tuple(_d.values())))

</pallas_src>

<mosaic_0001>
#map = affine_map<(d0, d1) -> (0, 0, 0)>
#map1 = affine_map<(d0, d1) -> (0, 0)>
module attributes {stable_mosaic.version = 14 : i64} {
  func.func @_sc_slice_kernel(%arg0: i32, %arg1: i32, %arg2: memref<16x2048x2048xf32, #tpu.memory_space<hbm>>, %arg3: memref<16x2048xf32, #tpu.memory_space<hbm>>, %arg4: memref<2048xf32, #tpu.memory_space<vmem>>, %arg5: memref<2048xf32, #tpu.memory_space<vmem>>, %arg6: memref<16xi32, #tpu.memory_space<vmem>>, %arg7: memref<16x16xi32, #tpu.memory_space<vmem>>, %arg8: memref<16x16xi32, #tpu.memory_space<vmem_shared>>, %arg9: memref<!tpu.dma_semaphore, #tpu.memory_space<semaphore_mem>>, %arg10: memref<!tpu.dma_semaphore, #tpu.memory_space<semaphore_mem>>) attributes {dimension_semantics = [#tpu.dimension_semantics<core_parallel>, #tpu.dimension_semantics<subcore_parallel>], iteration_bounds = array<i64: 1, 16>, scalar_prefetch = 0 : i64, scratch_operands = 7 : i64, tpu.core_type = #tpu.core_type<sc_vector_subcore>, window_params = [{transform_indices = #map}, {transform_indices = #map1}]} {
    %dma_start3A = arith.constant 2047 : i32
    %dma_start3A_0 = arith.constant 0 : i32
    %dma_start3A_1 = tpu.memref_slice %arg2[%arg1, %dma_start3A, %dma_start3A_0] : memref<16x2048x2048xf32, #tpu.memory_space<hbm>> -> memref<1x1x2048xf32, #tpu.memory_space<hbm>>
    %dma_start3A_2 = tpu.memref_squeeze %dma_start3A_1 : memref<1x1x2048xf32, #tpu.memory_space<hbm>> -> memref<2048xf32, #tpu.memory_space<hbm>>
    %dma_start3A_3 = arith.constant 0 : i32
    %dma_start3A_4 = tpu.memref_slice %arg2[%arg1, %dma_start3A, %dma_start3A_3] : memref<16x2048x2048xf32, #tpu.memory_space<hbm>> -> memref<1x1x2048xf32, #tpu.memory_space<hbm>>
    %dma_start3A_5 = tpu.memref_squeeze %dma_start3A_4 : memref<1x1x2048xf32, #tpu.memory_space<hbm>> -> memref<2048xf32, #tpu.memory_space<hbm>>
    tpu.enqueue_dma source(%dma_start3A_5 : memref<2048xf32, #tpu.memory_space<hbm>>) target(%arg4 : memref<2048xf32, #tpu.memory_space<vmem>>) target_semaphore(%arg9 : memref<!tpu.dma_semaphore, #tpu.memory_space<semaphore_mem>>)
    %dma_start3A_6 = arith.constant 12 : i32
    %dma_start3A_7 = arith.constant 2047 : i32
    %dma_start3A_8 = arith.constant 0 : i32
    %dma_start3A_9 = tpu.memref_slice %arg2[%dma_start3A_6, %dma_start3A_7, %dma_start3A_8] : memref<16x2048x2048xf32, #tpu.memory_space<hbm>> -> memref<1x1x2048xf32, #tpu.memory_space<hbm>>
    %dma_start3A_10 = tpu.memref_squeeze %dma_start3A_9 : memref<1x1x2048xf32, #tpu.memory_space<hbm>> -> memref<2048xf32, #tpu.memory_space<hbm>>
    %dma_start3A_11 = arith.constant 0 : i32
    %dma_start3A_12 = tpu.memref_slice %arg2[%dma_start3A_6, %dma_start3A_7, %dma_start3A_11] : memref<16x2048x2048xf32, #tpu.memory_space<hbm>> -> memref<1x1x2048xf32, #tpu.memory_space<hbm>>
    %dma_start3A_13 = tpu.memref_squeeze %dma_start3A_12 : memref<1x1x2048xf32, #tpu.memory_space<hbm>> -> memref<2048xf32, #tpu.memory_space<hbm>>
    tpu.enqueue_dma source(%dma_start3A_13 : memref<2048xf32, #tpu.memory_space<hbm>>) target(%arg5 : memref<2048xf32, #tpu.memory_space<vmem>>) target_semaphore(%arg10 : memref<!tpu.dma_semaphore, #tpu.memory_space<semaphore_mem>>)
    %dma_wait3A = arith.constant 2047 : i32
    %dma_wait3A_14 = arith.constant 0 : i32
    %dma_wait3A_15 = tpu.memref_slice %arg2[%arg1, %dma_wait3A, %dma_wait3A_14] : memref<16x2048x2048xf32, #tpu.memory_space<hbm>> -> memref<1x1x2048xf32, #tpu.memory_space<hbm>>
    %dma_wait3A_16 = tpu.memref_squeeze %dma_wait3A_15 : memref<1x1x2048xf32, #tpu.memory_space<hbm>> -> memref<2048xf32, #tpu.memory_space<hbm>>
    %dma_wait3A_17 = arith.constant 0 : i32
    %dma_wait3A_18 = tpu.memref_slice %arg2[%arg1, %dma_wait3A, %dma_wait3A_17] : memref<16x2048x2048xf32, #tpu.memory_space<hbm>> -> memref<1x1x2048xf32, #tpu.memory_space<hbm>>
    %dma_wait3A_19 = tpu.memref_squeeze %dma_wait3A_18 : memref<1x1x2048xf32, #tpu.memory_space<hbm>> -> memref<2048xf32, #tpu.memory_space<hbm>>
    tpu.wait_dma2 semaphore(%arg9 : memref<!tpu.dma_semaphore, #tpu.memory_space<semaphore_mem>>) src(%dma_wait3A_19 : memref<2048xf32, #tpu.memory_space<hbm>>) dst(%arg4 : memref<2048xf32, #tpu.memory_space<vmem>>)
    %iota3A = tpu.iota {dimensions = array<i32: 0>} : vector<16xi32>
    %broadcast_in_dim3A = arith.constant 0xFF800000 : f32
    %broadcast_in_dim3A_20 = vector.broadcast %broadcast_in_dim3A : f32 to vector<16xf32>
    %broadcast_in_dim3A_21 = arith.constant 0 : i32
    %broadcast_in_dim3A_22 = vector.broadcast %broadcast_in_dim3A_21 : i32 to vector<16xi32>
    %scan3A = arith.constant 0 : i32
    %scan3A_23 = arith.constant 128 : i32
    %scan3A_24 = arith.addi %scan3A, %scan3A_23 : i32
    %scan3A_25 = arith.constant 1 : i32
    %scan3A_26:2 = scf.for %scan3A_240 = %scan3A to %scan3A_24 step %scan3A_25 iter_args(%scan3A_241 = %broadcast_in_dim3A_20, %scan3A_242 = %broadcast_in_dim3A_22) -> (vector<16xf32>, vector<16xi32>)  : i32 {
      %mul3A = arith.constant 16 : i32
      %mul3A_243 = arith.muli %scan3A_240, %mul3A : i32
      %get3A_244 = arith.index_cast %mul3A_243 : i32 to index
      %get3A_245 = tpu.vector_load %arg4[%get3A_244] {strides = array<i32>} : memref<2048xf32, #tpu.memory_space<vmem>>, vector<16xf32>,
      %mul3A_246 = arith.constant 16 : i32
      %mul3A_247 = arith.muli %scan3A_240, %mul3A_246 : i32
      %add3A_248 = vector.broadcast %mul3A_247 : i32 to vector<16xi32>
      %add3A_249 = arith.addi %add3A_248, %iota3A : vector<16xi32>
      %gt3A = arith.cmpf ogt, %get3A_245, %scan3A_241 : vector<16xf32>
      %select_n3A_250 = arith.select %gt3A, %get3A_245, %scan3A_241 : vector<16xi1>, vector<16xf32>
      %select_n3A_251 = arith.select %gt3A, %add3A_249, %scan3A_242 : vector<16xi1>, vector<16xi32>
      scf.yield %select_n3A_250, %select_n3A_251 : vector<16xf32>, vector<16xi32>
    }
    %scan3A_27 = arith.constant 128 : i32
    %reduce_max3A = arith.constant true
    %reduce_max3A_28 = vector.broadcast %reduce_max3A : i1 to vector<16xi1>
    %reduce_max3A_29 = tpu.scan <max>, %scan3A_26#0 masked %reduce_max3A_28 : vector<16xf32>, vector<16xi1> -> vector<16xf32>
    %reduce_max3A_30 = vector.extract %reduce_max3A_29[15] : f32 from vector<16xf32>
    %eq3A = vector.broadcast %reduce_max3A_30 : f32 to vector<16xf32>
    %eq3A_31 = arith.cmpf oeq, %scan3A_26#0, %eq3A : vector<16xf32>
    %jit3A = arith.constant 2048 : i32
    %broadcast_in_dim3A_32 = vector.broadcast %jit3A : i32 to vector<16xi32>
    %select_n3A = arith.select %eq3A_31, %scan3A_26#1, %broadcast_in_dim3A_32 : vector<16xi1>, vector<16xi32>
    %reduce_min3A = arith.constant true
    %reduce_min3A_33 = vector.broadcast %reduce_min3A : i1 to vector<16xi1>
    %reduce_min3A_34 = arith.constant -2147483648 : i32
    %reduce_min3A_35 = vector.broadcast %reduce_min3A_34 : i32 to vector<16xi32>
    %reduce_min3A_36 = arith.xori %select_n3A, %reduce_min3A_35 : vector<16xi32>
    %reduce_min3A_37 = tpu.scan <min>, %reduce_min3A_36 masked %reduce_min3A_33 : vector<16xi32>, vector<16xi1> -> vector<16xi32>
    %reduce_min3A_38 = arith.xori %reduce_min3A_37, %reduce_min3A_35 : vector<16xi32>
    %reduce_min3A_39 = vector.extract %reduce_min3A_38[15] : i32 from vector<16xi32>
    %broadcast_in_dim3A_40 = vector.broadcast %reduce_min3A_39 : i32 to vector<16xi32>
    %swap3A = arith.constant 0 : index
    %swap3A_41 = tpu.vector_load %arg6[%swap3A] {strides = array<i32>} : memref<16xi32, #tpu.memory_space<vmem>>, vector<16xi32>,
    tpu.vector_store %arg6[%swap3A], %broadcast_in_dim3A_40 {strides = array<i32>} : memref<16xi32, #tpu.memory_space<vmem>>, vector<16xi32>,
    "tpu.region"() ({
      %run_scoped3A = tpu.sem_alloc : memref<!tpu.dma_semaphore, #tpu.memory_space<semaphore_mem>>
      %dma_start3A_240 = arith.constant 0 : i32
      %dma_start3A_241 = tpu.memref_slice %arg8[%arg1, %dma_start3A_240] : memref<16x16xi32, #tpu.memory_space<vmem_shared>> -> memref<1x16xi32, #tpu.memory_space<vmem_shared>>
      %dma_start3A_242 = tpu.memref_squeeze %dma_start3A_241 : memref<1x16xi32, #tpu.memory_space<vmem_shared>> -> memref<16xi32, #tpu.memory_space<vmem_shared>>
      %dma_start3A_243 = arith.constant 0 : i32
      %dma_start3A_244 = tpu.memref_slice %arg8[%arg1, %dma_start3A_243] : memref<16x16xi32, #tpu.memory_space<vmem_shared>> -> memref<1x16xi32, #tpu.memory_space<vmem_shared>>
      %dma_start3A_245 = tpu.memref_squeeze %dma_start3A_244 : memref<1x16xi32, #tpu.memory_space<vmem_shared>> -> memref<16xi32, #tpu.memory_space<vmem_shared>>
      tpu.enqueue_dma source(%arg6 : memref<16xi32, #tpu.memory_space<vmem>>) target(%dma_start3A_245 : memref<16xi32, #tpu.memory_space<vmem_shared>>) target_semaphore(%run_scoped3A : memref<!tpu.dma_semaphore, #tpu.memory_space<semaphore_mem>>)
      %dma_wait3A_246 = arith.constant 0 : i32
      %dma_wait3A_247 = tpu.memref_slice %arg8[%arg1, %dma_wait3A_246] : memref<16x16xi32, #tpu.memory_space<vmem_shared>> -> memref<1x16xi32, #tpu.memory_space<vmem_shared>>
      %dma_wait3A_248 = tpu.memref_squeeze %dma_wait3A_247 : memref<1x16xi32, #tpu.memory_space<vmem_shared>> -> memref<16xi32, #tpu.memory_space<vmem_shared>>
      %dma_wait3A_249 = arith.constant 0 : i32
      %dma_wait3A_250 = tpu.memref_slice %arg8[%arg1, %dma_wait3A_249] : memref<16x16xi32, #tpu.memory_space<vmem_shared>> -> memref<1x16xi32, #tpu.memory_space<vmem_shared>>
      %dma_wait3A_251 = tpu.memref_squeeze %dma_wait3A_250 : memref<1x16xi32, #tpu.memory_space<vmem_shared>> -> memref<16xi32, #tpu.memory_space<vmem_shared>>
      tpu.wait_dma2 semaphore(%run_scoped3A : memref<!tpu.dma_semaphore, #tpu.memory_space<semaphore_mem>>) src(%arg6 : memref<16xi32, #tpu.memory_space<vmem>>) dst(%dma_wait3A_251 : memref<16xi32, #tpu.memory_space<vmem_shared>>)
      tpu.yield
    }) : () -> ()
    %barrier3A = arith.constant 0 : index
    tpu.barrier barrier_id(%barrier3A)
    "tpu.region"() ({
      %run_scoped3A = tpu.sem_alloc : memref<!tpu.dma_semaphore, #tpu.memory_space<semaphore_mem>>
      tpu.enqueue_dma source(%arg8 : memref<16x16xi32, #tpu.memory_space<vmem_shared>>) target(%arg7 : memref<16x16xi32, #tpu.memory_space<vmem>>) target_semaphore(%run_scoped3A : memref<!tpu.dma_semaphore, #tpu.memory_space<semaphore_mem>>)
      tpu.wait_dma2 semaphore(%run_scoped3A : memref<!tpu.dma_semaphore, #tpu.memory_space<semaphore_mem>>) src(%arg8 : memref<16x16xi32, #tpu.memory_space<vmem_shared>>) dst(%arg7 : memref<16x16xi32, #tpu.memory_space<vmem>>)
      tpu.yield
    }) : () -> ()
    %gather3A = tpu.vector_load_idx %arg7[%iota3A, %iota3A] : memref<16x16xi32, #tpu.memory_space<vmem>>[vector<16xi32>, vector<16xi32>], vector<16xi32>,
    %broadcast_in_dim3A_42 = arith.constant 0 : i32
    %broadcast_in_dim3A_43 = vector.broadcast %broadcast_in_dim3A_42 : i32 to vector<16xi32>
    %get3A = arith.constant 0 : i32
    %get3A_44 = arith.index_cast %get3A : i32 to index
    %get3A_45 = arith.constant 0 : index
    %get3A_46 = tpu.vector_load %arg7[%get3A_44, %get3A_45] {strides = array<i32>} : memref<16x16xi32, #tpu.memory_space<vmem>>, vector<16xi32>,
    %eq3A_47 = arith.cmpi eq, %gather3A, %get3A_46 : vector<16xi32>
    %jit3A_48 = arith.constant 1 : i32
    %jit3A_49 = arith.constant 0 : i32
    %broadcast_in_dim3A_50 = vector.broadcast %jit3A_48 : i32 to vector<16xi32>
    %broadcast_in_dim3A_51 = vector.broadcast %jit3A_49 : i32 to vector<16xi32>
    %select_n3A_52 = arith.select %eq3A_47, %broadcast_in_dim3A_50, %broadcast_in_dim3A_51 : vector<16xi1>, vector<16xi32>
    %add3A = arith.addi %broadcast_in_dim3A_43, %select_n3A_52 : vector<16xi32>
    %get3A_53 = arith.constant 1 : i32
    %get3A_54 = arith.index_cast %get3A_53 : i32 to index
    %get3A_55 = arith.constant 0 : index
    %get3A_56 = tpu.vector_load %arg7[%get3A_54, %get3A_55] {strides = array<i32>} : memref<16x16xi32, #tpu.memory_space<vmem>>, vector<16xi32>,
    %eq3A_57 = arith.cmpi eq, %gather3A, %get3A_56 : vector<16xi32>
    %jit3A_58 = arith.constant 1 : i32
    %jit3A_59 = arith.constant 0 : i32
    %broadcast_in_dim3A_60 = vector.broadcast %jit3A_58 : i32 to vector<16xi32>
    %broadcast_in_dim3A_61 = vector.broadcast %jit3A_59 : i32 to vector<16xi32>
    %select_n3A_62 = arith.select %eq3A_57, %broadcast_in_dim3A_60, %broadcast_in_dim3A_61 : vector<16xi1>, vector<16xi32>
    %add3A_63 = arith.addi %add3A, %select_n3A_62 : vector<16xi32>
    %get3A_64 = arith.constant 2 : i32
    %get3A_65 = arith.index_cast %get3A_64 : i32 to index
    %get3A_66 = arith.constant 0 : index
    %get3A_67 = tpu.vector_load %arg7[%get3A_65, %get3A_66] {strides = array<i32>} : memref<16x16xi32, #tpu.memory_space<vmem>>, vector<16xi32>,
    %eq3A_68 = arith.cmpi eq, %gather3A, %get3A_67 : vector<16xi32>
    %jit3A_69 = arith.constant 1 : i32
    %jit3A_70 = arith.constant 0 : i32
    %broadcast_in_dim3A_71 = vector.broadcast %jit3A_69 : i32 to vector<16xi32>
    %broadcast_in_dim3A_72 = vector.broadcast %jit3A_70 : i32 to vector<16xi32>
    %select_n3A_73 = arith.select %eq3A_68, %broadcast_in_dim3A_71, %broadcast_in_dim3A_72 : vector<16xi1>, vector<16xi32>
    %add3A_74 = arith.addi %add3A_63, %select_n3A_73 : vector<16xi32>
    %get3A_75 = arith.constant 3 : i32
    %get3A_76 = arith.index_cast %get3A_75 : i32 to index
    %get3A_77 = arith.constant 0 : index
    %get3A_78 = tpu.vector_load %arg7[%get3A_76, %get3A_77] {strides = array<i32>} : memref<16x16xi32, #tpu.memory_space<vmem>>, vector<16xi32>,
    %eq3A_79 = arith.cmpi eq, %gather3A, %get3A_78 : vector<16xi32>
    %jit3A_80 = arith.constant 1 : i32
    %jit3A_81 = arith.constant 0 : i32
    %broadcast_in_dim3A_82 = vector.broadcast %jit3A_80 : i32 to vector<16xi32>
    %broadcast_in_dim3A_83 = vector.broadcast %jit3A_81 : i32 to vector<16xi32>
    %select_n3A_84 = arith.select %eq3A_79, %broadcast_in_dim3A_82, %broadcast_in_dim3A_83 : vector<16xi1>, vector<16xi32>
    %add3A_85 = arith.addi %add3A_74, %select_n3A_84 : vector<16xi32>
    %get3A_86 = arith.constant 4 : i32
    %get3A_87 = arith.index_cast %get3A_86 : i32 to index
    %get3A_88 = arith.constant 0 : index
    %get3A_89 = tpu.vector_load %arg7[%get3A_87, %get3A_88] {strides = array<i32>} : memref<16x16xi32, #tpu.memory_space<vmem>>, vector<16xi32>,
    %eq3A_90 = arith.cmpi eq, %gather3A, %get3A_89 : vector<16xi32>
    %jit3A_91 = arith.constant 1 : i32
    %jit3A_92 = arith.constant 0 : i32
    %broadcast_in_dim3A_93 = vector.broadcast %jit3A_91 : i32 to vector<16xi32>
    %broadcast_in_dim3A_94 = vector.broadcast %jit3A_92 : i32 to vector<16xi32>
    %select_n3A_95 = arith.select %eq3A_90, %broadcast_in_dim3A_93, %broadcast_in_dim3A_94 : vector<16xi1>, vector<16xi32>
    %add3A_96 = arith.addi %add3A_85, %select_n3A_95 : vector<16xi32>
    %get3A_97 = arith.constant 5 : i32
    %get3A_98 = arith.index_cast %get3A_97 : i32 to index
    %get3A_99 = arith.constant 0 : index
    %get3A_100 = tpu.vector_load %arg7[%get3A_98, %get3A_99] {strides = array<i32>} : memref<16x16xi32, #tpu.memory_space<vmem>>, vector<16xi32>,
    %eq3A_101 = arith.cmpi eq, %gather3A, %get3A_100 : vector<16xi32>
    %jit3A_102 = arith.constant 1 : i32
    %jit3A_103 = arith.constant 0 : i32
    %broadcast_in_dim3A_104 = vector.broadcast %jit3A_102 : i32 to vector<16xi32>
    %broadcast_in_dim3A_105 = vector.broadcast %jit3A_103 : i32 to vector<16xi32>
    %select_n3A_106 = arith.select %eq3A_101, %broadcast_in_dim3A_104, %broadcast_in_dim3A_105 : vector<16xi1>, vector<16xi32>
    %add3A_107 = arith.addi %add3A_96, %select_n3A_106 : vector<16xi32>
    %get3A_108 = arith.constant 6 : i32
    %get3A_109 = arith.index_cast %get3A_108 : i32 to index
    %get3A_110 = arith.constant 0 : index
    %get3A_111 = tpu.vector_load %arg7[%get3A_109, %get3A_110] {strides = array<i32>} : memref<16x16xi32, #tpu.memory_space<vmem>>, vector<16xi32>,
    %eq3A_112 = arith.cmpi eq, %gather3A, %get3A_111 : vector<16xi32>
    %jit3A_113 = arith.constant 1 : i32
    %jit3A_114 = arith.constant 0 : i32
    %broadcast_in_dim3A_115 = vector.broadcast %jit3A_113 : i32 to vector<16xi32>
    %broadcast_in_dim3A_116 = vector.broadcast %jit3A_114 : i32 to vector<16xi32>
    %select_n3A_117 = arith.select %eq3A_112, %broadcast_in_dim3A_115, %broadcast_in_dim3A_116 : vector<16xi1>, vector<16xi32>
    %add3A_118 = arith.addi %add3A_107, %select_n3A_117 : vector<16xi32>
    %get3A_119 = arith.constant 7 : i32
    %get3A_120 = arith.index_cast %get3A_119 : i32 to index
    %get3A_121 = arith.constant 0 : index
    %get3A_122 = tpu.vector_load %arg7[%get3A_120, %get3A_121] {strides = array<i32>} : memref<16x16xi32, #tpu.memory_space<vmem>>, vector<16xi32>,
    %eq3A_123 = arith.cmpi eq, %gather3A, %get3A_122 : vector<16xi32>
    %jit3A_124 = arith.constant 1 : i32
    %jit3A_125 = arith.constant 0 : i32
    %broadcast_in_dim3A_126 = vector.broadcast %jit3A_124 : i32 to vector<16xi32>
    %broadcast_in_dim3A_127 = vector.broadcast %jit3A_125 : i32 to vector<16xi32>
    %select_n3A_128 = arith.select %eq3A_123, %broadcast_in_dim3A_126, %broadcast_in_dim3A_127 : vector<16xi1>, vector<16xi32>
    %add3A_129 = arith.addi %add3A_118, %select_n3A_128 : vector<16xi32>
    %get3A_130 = arith.constant 8 : i32
    %get3A_131 = arith.index_cast %get3A_130 : i32 to index
    %get3A_132 = arith.constant 0 : index
    %get3A_133 = tpu.vector_load %arg7[%get3A_131, %get3A_132] {strides = array<i32>} : memref<16x16xi32, #tpu.memory_space<vmem>>, vector<16xi32>,
    %eq3A_134 = arith.cmpi eq, %gather3A, %get3A_133 : vector<16xi32>
    %jit3A_135 = arith.constant 1 : i32
    %jit3A_136 = arith.constant 0 : i32
    %broadcast_in_dim3A_137 = vector.broadcast %jit3A_135 : i32 to vector<16xi32>
    %broadcast_in_dim3A_138 = vector.broadcast %jit3A_136 : i32 to vector<16xi32>
    %select_n3A_139 = arith.select %eq3A_134, %broadcast_in_dim3A_137, %broadcast_in_dim3A_138 : vector<16xi1>, vector<16xi32>
    %add3A_140 = arith.addi %add3A_129, %select_n3A_139 : vector<16xi32>
    %get3A_141 = arith.constant 9 : i32
    %get3A_142 = arith.index_cast %get3A_141 : i32 to index
    %get3A_143 = arith.constant 0 : index
    %get3A_144 = tpu.vector_load %arg7[%get3A_142, %get3A_143] {strides = array<i32>} : memref<16x16xi32, #tpu.memory_space<vmem>>, vector<16xi32>,
    %eq3A_145 = arith.cmpi eq, %gather3A, %get3A_144 : vector<16xi32>
    %jit3A_146 = arith.constant 1 : i32
    %jit3A_147 = arith.constant 0 : i32
    %broadcast_in_dim3A_148 = vector.broadcast %jit3A_146 : i32 to vector<16xi32>
    %broadcast_in_dim3A_149 = vector.broadcast %jit3A_147 : i32 to vector<16xi32>
    %select_n3A_150 = arith.select %eq3A_145, %broadcast_in_dim3A_148, %broadcast_in_dim3A_149 : vector<16xi1>, vector<16xi32>
    %add3A_151 = arith.addi %add3A_140, %select_n3A_150 : vector<16xi32>
    %get3A_152 = arith.constant 10 : i32
    %get3A_153 = arith.index_cast %get3A_152 : i32 to index
    %get3A_154 = arith.constant 0 : index
    %get3A_155 = tpu.vector_load %arg7[%get3A_153, %get3A_154] {strides = array<i32>} : memref<16x16xi32, #tpu.memory_space<vmem>>, vector<16xi32>,
    %eq3A_156 = arith.cmpi eq, %gather3A, %get3A_155 : vector<16xi32>
    %jit3A_157 = arith.constant 1 : i32
    %jit3A_158 = arith.constant 0 : i32
    %broadcast_in_dim3A_159 = vector.broadcast %jit3A_157 : i32 to vector<16xi32>
    %broadcast_in_dim3A_160 = vector.broadcast %jit3A_158 : i32 to vector<16xi32>
    %select_n3A_161 = arith.select %eq3A_156, %broadcast_in_dim3A_159, %broadcast_in_dim3A_160 : vector<16xi1>, vector<16xi32>
    %add3A_162 = arith.addi %add3A_151, %select_n3A_161 : vector<16xi32>
    %get3A_163 = arith.constant 11 : i32
    %get3A_164 = arith.index_cast %get3A_163 : i32 to index
    %get3A_165 = arith.constant 0 : index
    %get3A_166 = tpu.vector_load %arg7[%get3A_164, %get3A_165] {strides = array<i32>} : memref<16x16xi32, #tpu.memory_space<vmem>>, vector<16xi32>,
    %eq3A_167 = arith.cmpi eq, %gather3A, %get3A_166 : vector<16xi32>
    %jit3A_168 = arith.constant 1 : i32
    %jit3A_169 = arith.constant 0 : i32
    %broadcast_in_dim3A_170 = vector.broadcast %jit3A_168 : i32 to vector<16xi32>
    %broadcast_in_dim3A_171 = vector.broadcast %jit3A_169 : i32 to vector<16xi32>
    %select_n3A_172 = arith.select %eq3A_167, %broadcast_in_dim3A_170, %broadcast_in_dim3A_171 : vector<16xi1>, vector<16xi32>
    %add3A_173 = arith.addi %add3A_162, %select_n3A_172 : vector<16xi32>
    %get3A_174 = arith.constant 12 : i32
    %get3A_175 = arith.index_cast %get3A_174 : i32 to index
    %get3A_176 = arith.constant 0 : index
    %get3A_177 = tpu.vector_load %arg7[%get3A_175, %get3A_176] {strides = array<i32>} : memref<16x16xi32, #tpu.memory_space<vmem>>, vector<16xi32>,
    %eq3A_178 = arith.cmpi eq, %gather3A, %get3A_177 : vector<16xi32>
    %jit3A_179 = arith.constant 1 : i32
    %jit3A_180 = arith.constant 0 : i32
    %broadcast_in_dim3A_181 = vector.broadcast %jit3A_179 : i32 to vector<16xi32>
    %broadcast_in_dim3A_182 = vector.broadcast %jit3A_180 : i32 to vector<16xi32>
    %select_n3A_183 = arith.select %eq3A_178, %broadcast_in_dim3A_181, %broadcast_in_dim3A_182 : vector<16xi1>, vector<16xi32>
    %add3A_184 = arith.addi %add3A_173, %select_n3A_183 : vector<16xi32>
    %get3A_185 = arith.constant 13 : i32
    %get3A_186 = arith.index_cast %get3A_185 : i32 to index
    %get3A_187 = arith.constant 0 : index
    %get3A_188 = tpu.vector_load %arg7[%get3A_186, %get3A_187] {strides = array<i32>} : memref<16x16xi32, #tpu.memory_space<vmem>>, vector<16xi32>,
    %eq3A_189 = arith.cmpi eq, %gather3A, %get3A_188 : vector<16xi32>
    %jit3A_190 = arith.constant 1 : i32
    %jit3A_191 = arith.constant 0 : i32
    %broadcast_in_dim3A_192 = vector.broadcast %jit3A_190 : i32 to vector<16xi32>
    %broadcast_in_dim3A_193 = vector.broadcast %jit3A_191 : i32 to vector<16xi32>
    %select_n3A_194 = arith.select %eq3A_189, %broadcast_in_dim3A_192, %broadcast_in_dim3A_193 : vector<16xi1>, vector<16xi32>
    %add3A_195 = arith.addi %add3A_184, %select_n3A_194 : vector<16xi32>
    %get3A_196 = arith.constant 14 : i32
    %get3A_197 = arith.index_cast %get3A_196 : i32 to index
    %get3A_198 = arith.constant 0 : index
    %get3A_199 = tpu.vector_load %arg7[%get3A_197, %get3A_198] {strides = array<i32>} : memref<16x16xi32, #tpu.memory_space<vmem>>, vector<16xi32>,
    %eq3A_200 = arith.cmpi eq, %gather3A, %get3A_199 : vector<16xi32>
    %jit3A_201 = arith.constant 1 : i32
    %jit3A_202 = arith.constant 0 : i32
    %broadcast_in_dim3A_203 = vector.broadcast %jit3A_201 : i32 to vector<16xi32>
    %broadcast_in_dim3A_204 = vector.broadcast %jit3A_202 : i32 to vector<16xi32>
    %select_n3A_205 = arith.select %eq3A_200, %broadcast_in_dim3A_203, %broadcast_in_dim3A_204 : vector<16xi1>, vector<16xi32>
    %add3A_206 = arith.addi %add3A_195, %select_n3A_205 : vector<16xi32>
    %get3A_207 = arith.constant 15 : i32
    %get3A_208 = arith.index_cast %get3A_207 : i32 to index
    %get3A_209 = arith.constant 0 : index
    %get3A_210 = tpu.vector_load %arg7[%get3A_208, %get3A_209] {strides = array<i32>} : memref<16x16xi32, #tpu.memory_space<vmem>>, vector<16xi32>,
    %eq3A_211 = arith.cmpi eq, %gather3A, %get3A_210 : vector<16xi32>
    %jit3A_212 = arith.constant 1 : i32
    %jit3A_213 = arith.constant 0 : i32
    %broadcast_in_dim3A_214 = vector.broadcast %jit3A_212 : i32 to vector<16xi32>
    %broadcast_in_dim3A_215 = vector.broadcast %jit3A_213 : i32 to vector<16xi32>
    %select_n3A_216 = arith.select %eq3A_211, %broadcast_in_dim3A_214, %broadcast_in_dim3A_215 : vector<16xi1>, vector<16xi32>
    %add3A_217 = arith.addi %add3A_206, %select_n3A_216 : vector<16xi32>
    %reduce_max3A_218 = arith.constant true
    %reduce_max3A_219 = vector.broadcast %reduce_max3A_218 : i1 to vector<16xi1>
    %reduce_max3A_220 = arith.constant -2147483648 : i32
    %reduce_max3A_221 = vector.broadcast %reduce_max3A_220 : i32 to vector<16xi32>
    %reduce_max3A_222 = arith.xori %add3A_217, %reduce_max3A_221 : vector<16xi32>
    %reduce_max3A_223 = tpu.scan <max>, %reduce_max3A_222 masked %reduce_max3A_219 : vector<16xi32>, vector<16xi1> -> vector<16xi32>
    %reduce_max3A_224 = arith.xori %reduce_max3A_223, %reduce_max3A_221 : vector<16xi32>
    %reduce_max3A_225 = vector.extract %reduce_max3A_224[15] : i32 from vector<16xi32>
    %le3A = arith.constant 8 : i32
    %le3A_226 = arith.cmpi sle, %reduce_max3A_225, %le3A : i32
    %dma_wait3A_227 = arith.constant 12 : i32
    %dma_wait3A_228 = arith.constant 2047 : i32
    %dma_wait3A_229 = arith.constant 0 : i32
    %dma_wait3A_230 = tpu.memref_slice %arg2[%dma_wait3A_227, %dma_wait3A_228, %dma_wait3A_229] : memref<16x2048x2048xf32, #tpu.memory_space<hbm>> -> memref<1x1x2048xf32, #tpu.memory_space<hbm>>
    %dma_wait3A_231 = tpu.memref_squeeze %dma_wait3A_230 : memref<1x1x2048xf32, #tpu.memory_space<hbm>> -> memref<2048xf32, #tpu.memory_space<hbm>>
    %dma_wait3A_232 = arith.constant 0 : i32
    %dma_wait3A_233 = tpu.memref_slice %arg2[%dma_wait3A_227, %dma_wait3A_228, %dma_wait3A_232] : memref<16x2048x2048xf32, #tpu.memory_space<hbm>> -> memref<1x1x2048xf32, #tpu.memory_space<hbm>>
    %dma_wait3A_234 = tpu.memref_squeeze %dma_wait3A_233 : memref<1x1x2048xf32, #tpu.memory_space<hbm>> -> memref<2048xf32, #tpu.memory_space<hbm>>
    tpu.wait_dma2 semaphore(%arg10 : memref<!tpu.dma_semaphore, #tpu.memory_space<semaphore_mem>>) src(%dma_wait3A_234 : memref<2048xf32, #tpu.memory_space<hbm>>) dst(%arg5 : memref<2048xf32, #tpu.memory_space<vmem>>)
    %convert_element_type3A = arith.extui %le3A_226 : i1 to i32
    %cond3A = arith.constant 0 : i32
    %cond3A_235 = arith.cmpi ne, %convert_element_type3A, %cond3A : i32
    scf.if %cond3A_235 {
      "tpu.region"() ({
        %run_scoped3A = tpu.sem_alloc : memref<!tpu.dma_semaphore, #tpu.memory_space<semaphore_mem>>
        %dma_start3A_240 = arith.constant 0 : i32
        %dma_start3A_241 = tpu.memref_slice %arg3[%arg1, %dma_start3A_240] : memref<16x2048xf32, #tpu.memory_space<hbm>> -> memref<1x2048xf32, #tpu.memory_space<hbm>>
        %dma_start3A_242 = tpu.memref_squeeze %dma_start3A_241 : memref<1x2048xf32, #tpu.memory_space<hbm>> -> memref<2048xf32, #tpu.memory_space<hbm>>
        %dma_start3A_243 = arith.constant 0 : i32
        %dma_start3A_244 = tpu.memref_slice %arg3[%arg1, %dma_start3A_243] : memref<16x2048xf32, #tpu.memory_space<hbm>> -> memref<1x2048xf32, #tpu.memory_space<hbm>>
        %dma_start3A_245 = tpu.memref_squeeze %dma_start3A_244 : memref<1x2048xf32, #tpu.memory_space<hbm>> -> memref<2048xf32, #tpu.memory_space<hbm>>
        tpu.enqueue_dma source(%arg5 : memref<2048xf32, #tpu.memory_space<vmem>>) target(%dma_start3A_245 : memref<2048xf32, #tpu.memory_space<hbm>>) target_semaphore(%run_scoped3A : memref<!tpu.dma_semaphore, #tpu.memory_space<semaphore_mem>>)
        %dma_wait3A_246 = arith.constant 0 : i32
        %dma_wait3A_247 = tpu.memref_slice %arg3[%arg1, %dma_wait3A_246] : memref<16x2048xf32, #tpu.memory_space<hbm>> -> memref<1x2048xf32, #tpu.memory_space<hbm>>
        %dma_wait3A_248 = tpu.memref_squeeze %dma_wait3A_247 : memref<1x2048xf32, #tpu.memory_space<hbm>> -> memref<2048xf32, #tpu.memory_space<hbm>>
        %dma_wait3A_249 = arith.constant 0 : i32
        %dma_wait3A_250 = tpu.memref_slice %arg3[%arg1, %dma_wait3A_249] : memref<16x2048xf32, #tpu.memory_space<hbm>> -> memref<1x2048xf32, #tpu.memory_space<hbm>>
        %dma_wait3A_251 = tpu.memref_squeeze %dma_wait3A_250 : memref<1x2048xf32, #tpu.memory_space<hbm>> -> memref<2048xf32, #tpu.memory_space<hbm>>
        tpu.wait_dma2 semaphore(%run_scoped3A : memref<!tpu.dma_semaphore, #tpu.memory_space<semaphore_mem>>) src(%arg5 : memref<2048xf32, #tpu.memory_space<vmem>>) dst(%dma_wait3A_251 : memref<2048xf32, #tpu.memory_space<hbm>>)
        tpu.yield
      }) : () -> ()
    } else {
    }
    %not3A = arith.constant true
    %not3A_236 = arith.xori %le3A_226, %not3A : i1
    %convert_element_type3A_237 = arith.extui %not3A_236 : i1 to i32
    %cond3A_238 = arith.constant 0 : i32
    %cond3A_239 = arith.cmpi ne, %convert_element_type3A_237, %cond3A_238 : i32
    scf.if %cond3A_239 {
      "tpu.region"() ({
        %run_scoped3A = tpu.sem_alloc : memref<!tpu.dma_semaphore, #tpu.memory_space<semaphore_mem>>
        %dma_start3A_240 = arith.constant 0 : i32
        %dma_start3A_241 = tpu.memref_slice %arg3[%arg1, %dma_start3A_240] : memref<16x2048xf32, #tpu.memory_space<hbm>> -> memref<1x2048xf32, #tpu.memory_space<hbm>>
        %dma_start3A_242 = tpu.memref_squeeze %dma_start3A_241 : memref<1x2048xf32, #tpu.memory_space<hbm>> -> memref<2048xf32, #tpu.memory_space<hbm>>
        %dma_start3A_243 = arith.constant 0 : i32
        %dma_start3A_244 = tpu.memref_slice %arg3[%arg1, %dma_start3A_243] : memref<16x2048xf32, #tpu.memory_space<hbm>> -> memref<1x2048xf32, #tpu.memory_space<hbm>>
        %dma_start3A_245 = tpu.memref_squeeze %dma_start3A_244 : memref<1x2048xf32, #tpu.memory_space<hbm>> -> memref<2048xf32, #tpu.memory_space<hbm>>
        tpu.enqueue_dma source(%arg4 : memref<2048xf32, #tpu.memory_space<vmem>>) target(%dma_start3A_245 : memref<2048xf32, #tpu.memory_space<hbm>>) target_semaphore(%run_scoped3A : memref<!tpu.dma_semaphore, #tpu.memory_space<semaphore_mem>>)
        %dma_wait3A_246 = arith.constant 0 : i32
        %dma_wait3A_247 = tpu.memref_slice %arg3[%arg1, %dma_wait3A_246] : memref<16x2048xf32, #tpu.memory_space<hbm>> -> memref<1x2048xf32, #tpu.memory_space<hbm>>
        %dma_wait3A_248 = tpu.memref_squeeze %dma_wait3A_247 : memref<1x2048xf32, #tpu.memory_space<hbm>> -> memref<2048xf32, #tpu.memory_space<hbm>>
        %dma_wait3A_249 = arith.constant 0 : i32
        %dma_wait3A_250 = tpu.memref_slice %arg3[%arg1, %dma_wait3A_249] : memref<16x2048xf32, #tpu.memory_space<hbm>> -> memref<1x2048xf32, #tpu.memory_space<hbm>>
        %dma_wait3A_251 = tpu.memref_squeeze %dma_wait3A_250 : memref<1x2048xf32, #tpu.memory_space<hbm>> -> memref<2048xf32, #tpu.memory_space<hbm>>
        tpu.wait_dma2 semaphore(%run_scoped3A : memref<!tpu.dma_semaphore, #tpu.memory_space<semaphore_mem>>) src(%arg4 : memref<2048xf32, #tpu.memory_space<vmem>>) dst(%dma_wait3A_251 : memref<2048xf32, #tpu.memory_space<hbm>>)
        tpu.yield
      }) : () -> ()
    } else {
    }
    return
  }
}

module attributes {stable_mosaic.version = 14 : i64} {
  func.func @_copy_kernel(%arg0: i32, %arg1: memref<1024x2048xf32, #tpu.memory_space<vmem>>, %arg2: memref<1024x2048xf32, #tpu.memory_space<vmem>>) attributes {dimension_semantics = [#tpu.dimension_semantics<arbitrary>], iteration_bounds = array<i64: 32>, scalar_prefetch = 0 : i64, scratch_operands = 0 : i64, tpu.core_type = #tpu.core_type<tc>, window_params = [{transform_indices = @transform_0, window_bounds = array<i64: 1024, 2048>}, {transform_indices = @transform_1, window_bounds = array<i64: 1024, 2048>}]} {
    %get3A = arith.constant 0 : index
    %get3A_0 = arith.constant 0 : index
    %get3A_1 = vector.load %arg1[%get3A, %get3A_0] : memref<1024x2048xf32, #tpu.memory_space<vmem>>, vector<1024x2048xf32>
    %swap3A = arith.constant 0 : index
    %swap3A_2 = arith.constant 0 : index
    %swap3A_3 = vector.load %arg2[%swap3A, %swap3A_2] : memref<1024x2048xf32, #tpu.memory_space<vmem>>, vector<1024x2048xf32>
    tpu.vector_store %arg2[%swap3A, %swap3A_2], %get3A_1 {strides = array<i32>} : memref<1024x2048xf32, #tpu.memory_space<vmem>>, vector<1024x2048xf32>,
    return
  }
  func.func @transform_0(%arg0: i32) -> (i32, i32) {
    %c0_i32 = arith.constant 0 : i32
    %c0_i32_0 = arith.constant 0 : i32
    return %arg0, %c0_i32 : i32, i32
  }
  func.func @transform_1(%arg0: i32) -> (i32, i32) {
    %c0_i32 = arith.constant 0 : i32
    %c0_i32_0 = arith.constant 0 : i32
    return %arg0, %c0_i32 : i32, i32
  }
}

module attributes {stable_mosaic.version = 14 : i64} {
  func.func @_patch_kernel(%arg0: i32, %arg1: memref<16x8x2048xf32, #tpu.memory_space<vmem>>, %arg2: memref<16x2048xf32, #tpu.memory_space<vmem>>, %arg3: memref<16x8x2048xf32, #tpu.memory_space<vmem>>) attributes {dimension_semantics = [#tpu.dimension_semantics<arbitrary>], iteration_bounds = array<i64: 1>, scalar_prefetch = 0 : i64, scratch_operands = 0 : i64, tpu.core_type = #tpu.core_type<tc>, window_params = [{transform_indices = @transform_0, window_bounds = array<i64: 16, 8, 2048>}, {pipeline_mode = #tpu.pipeline_mode<synchronous>, transform_indices = @transform_1, window_bounds = array<i64: 16, 2048>}, {transform_indices = @transform_2, window_bounds = array<i64: 16, 8, 2048>}]} {
    %get3A = arith.constant 0 : index
    %get3A_0 = arith.constant 0 : index
    %get3A_1 = arith.constant 0 : index
    %get3A_2 = vector.load %arg1[%get3A, %get3A_0, %get3A_1] : memref<16x8x2048xf32, #tpu.memory_space<vmem>>, vector<16x8x2048xf32>
    %iota3A = tpu.iota {dimensions = array<i32: 1>} : vector<16x8x2048xi32>
    %eq3A = arith.constant 7 : i32
    %eq3A_3 = vector.broadcast %eq3A : i32 to vector<16x8x2048xi32>
    %eq3A_4 = arith.cmpi eq, %iota3A, %eq3A_3 : vector<16x8x2048xi32>
    %get3A_5 = arith.constant 0 : index
    %get3A_6 = arith.constant 0 : index
    %get3A_7 = vector.load %arg2[%get3A_5, %get3A_6] : memref<16x2048xf32, #tpu.memory_space<vmem>>, vector<16x2048xf32>
    %broadcast_in_dim3A = vector.shape_cast %get3A_7 : vector<16x2048xf32> to vector<16x1x2048xf32>
    %broadcast_in_dim3A_8 = vector.shape_cast %broadcast_in_dim3A : vector<16x1x2048xf32> to vector<16x1x2048xf32>
    %broadcast_in_dim3A_9 = vector.broadcast %broadcast_in_dim3A_8 : vector<16x1x2048xf32> to vector<16x8x2048xf32>
    %select_n3A = arith.select %eq3A_4, %broadcast_in_dim3A_9, %get3A_2 : vector<16x8x2048xi1>, vector<16x8x2048xf32>
    %swap3A = arith.constant 0 : index
    %swap3A_10 = arith.constant 0 : index
    %swap3A_11 = arith.constant 0 : index
    %swap3A_12 = vector.load %arg3[%swap3A, %swap3A_10, %swap3A_11] : memref<16x8x2048xf32, #tpu.memory_space<vmem>>, vector<16x8x2048xf32>
    tpu.vector_store %arg3[%swap3A, %swap3A_10, %swap3A_11], %select_n3A {strides = array<i32>} : memref<16x8x2048xf32, #tpu.memory_space<vmem>>, vector<16x8x2048xf32>,
    return
  }
  func.func @transform_0(%arg0: i32) -> (i32, i32, i32) {
    %c0_i32 = arith.constant 0 : i32
    %c255_i32 = arith.constant 255 : i32
    %c0_i32_0 = arith.constant 0 : i32
    %c0_i32_1 = arith.constant 0 : i32
    return %c0_i32, %c255_i32, %c0_i32_0 : i32, i32, i32
  }
  func.func @transform_1(%arg0: i32) -> (i32, i32) {
    %c0_i32 = arith.constant 0 : i32
    %c0_i32_0 = arith.constant 0 : i32
    %c0_i32_1 = arith.constant 0 : i32
    return %c0_i32, %c0_i32_0 : i32, i32
  }
  func.func @transform_2(%arg0: i32) -> (i32, i32, i32) {
    %c0_i32 = arith.constant 0 : i32
    %c255_i32 = arith.constant 255 : i32
    %c0_i32_0 = arith.constant 0 : i32
    %c0_i32_1 = arith.constant 0 : i32
    return %c0_i32, %c255_i32, %c0_i32_0 : i32, i32, i32
  }
}

</mosaic_0001>

<sc_bundles>
// kernel: kernel.5.cloned.1.call-start
scs
__scs_entry_jumppad:
0x0: {  	(pc) =	sbr.rel $0x88, $3  }
0x1: {  	(tag) =	ssettag $0x0;
	lr =	simm.s32 $0x1  }
0x2: {  	[smem:$0x3FA0] =	sst lr;
	_ =	strace $0xD0000000  }
0x3: {  	_ = 	snop  }
0x4: {  	_ = 	snop  }
0x5: {  	_ = 	snop  }
0x6: {  	_ = 	snop  }
0x7: {  	_ = 	snop  }
__scs_overlays_trampoline_lowered:
0x8: {  	[smem:$0x3FAF] =	sst s0  }
0x9: {  	[smem:$0x3FB0] =	sst s1  }
0xa: {  	[smem:$0x3FB1] =	sst s2  }
0xb: {  	[smem:$0x3FB2] =	sst s3  }
0xc: {  	[smem:$0x3FB3] =	sst s4  }
0xd: {  	[smem:$0x3FB4] =	sst s5  }
0xe: {  	[smem:$0x3FB5] =	sst s6  }
0xf: {  	[smem:$0x3FB6] =	sst s7  }
0x10: {  	[smem:$0x3FB7] =	sst s8  }
0x11: {  	[smem:$0x3FB8] =	sst s9;
	s0 =	simm.s32 @!p0 $0x0  }
0x12: {  	s1 =	sld [smem:$0x3F9E];
	s0 =	simm.s32 @p0 $0x1  }
0x13: {  	[smem:$0x3FB9] =	sst s0;
	s0 =	simm.s32 @!p1 $0x0  }
0x14: {  	s2 =	sld [smem:$0x3F9D];
	s0 =	simm.s32 @p1 $0x1  }
0x15: {  	[smem:$0x3FBA] =	sst s0;
	s0 =	simm.s32 @!p2 $0x0  }
0x16: {  	s3 =	sld [smem:$0x3FDB];
	s0 =	simm.s32 @p2 $0x1  }
0x17: {  	s4 =	simm.s32 $0x1BF5;
	[smem:$0x3FBC] =	sst s0  }
0x18: {  	s0 =	sld [smem:$0x3F9F];
	_ =	swait.ge [sflag:s4], $0x0  }
0x19: {  	s7 =	sld [smem:$0x3FA0]  }
0x1a: {  	s8 =	sadd.s32 $0xFFFFE003, lr  }
0x1b: {  	s9 =	sadd.s32 $0xFFFFFEF7, lr;
	s5 =	simm.s32 $0xFFFFFFFF;
	p2 =	slt.u32 s8, $0xFFFFF086  }
0x1c: {  	p1 =	slt.u32 s9, $0xF7A;
	s5 =	simm.s32 @!p2 $0x0  }
0x1d: {  	s5 =	simm.s32 @p1 $0x1;
	p0 =	seq.s32 s7, s2  }
0x1e: {  	s7 =	smul.u32 @!p0 $0xF7A, s2;
	p2 =	seq.s32 @!p0 s5, $0x0  }
0x1f: {  	s9 =	smul.u32 $0xF7A, s1;
	s8 =	simm.s32 @!p0 $0x1BF5;
	p2 =	por !p2, p0  }
0x20: {  	[sflag:s8] =	ssyncset.s32 @!p0 $0xFFFFF086;
	s6 =	sadd.s32 @!p0 s3, s7;
	s7 =	simm.s32 @!p0 $0x108  }
0x21: {  	s3 =	sadd.s32 s3, s9;
	s6 =	sadd.s32 @!p0 $0x88, s6;
	s7 =	simm.s32 @p2 $0x1082  }
0x22: {  	[simem:s7], [sflag:s8] =	dma.local @!p0 [hbm:s6], $0xF7A  }
0x23: {  	s9 =	sor.u32 $0xD0000000, s2;
	s6 =	simm.s32 $0x108;
	_ =	swait.ge @!p0 [sflag:s8], $0x0  }
0x24: {  	s3 =	sadd.s32 $0x88, s3;
	s6 =	simm.s32 @!p1 $0x1082;
	[sflag:s4] =	ssyncset.s32 $0xFFFFF086  }
0x25: {  	[simem:s6], [sflag:s4] =	dma.local [hbm:s3], $0xF7A  }
0x26: {  	[smem:$0x3FA0] =	sst s1;
	(tag) =	ssettag s2;
	_ =	strace s9  }
0x27: {  	s1 =	sld [smem:$0x3FB0]  }
0x28: {  	s2 =	sld [smem:$0x3FB1]  }
0x29: {  	s4 =	sld [smem:$0x3FB3]  }
0x2a: {  	p0 =	seq.s32 s5, $0x0;
	s5 =	sld [smem:$0x3FB4]  }
0x2b: {  	s6 =	sld [smem:$0x3FB5]  }
0x2c: {  	s7 =	sld [smem:$0x3FB6]  }
0x2d: {  	s3 =	simm.s32 $0x108;
	s8 =	sld [smem:$0x3FB7]  }
0x2e: {  	s3 =	simm.s32 @!p0 $0x1082;
	s9 =	sld [smem:$0x3FB8]  }
0x2f: {  	lr =	sadd.s32 s0, s3;
	s0 =	sld [smem:$0x3FAF]  }
0x30: {  	s3 =	sld [smem:$0x3FB2]  }
0x31: {  	[smem:$0x3FBB] =	sst s10  }
0x32: {  	s10 =	sld [smem:$0x3FB9];
	_ =	sdelay $0x3  }
0x33: {  	p0 =	seq.s32 s10, $0x1;
	s10 =	sld [smem:$0x3FBB];
	_ =	sdelay $0x3  }
0x34: {  	[smem:$0x3FBB] =	sst s10  }
0x35: {  	s10 =	sld [smem:$0x3FBA];
	_ =	sdelay $0x3  }
0x36: {  	p1 =	seq.s32 s10, $0x1;
	s10 =	sld [smem:$0x3FBB];
	_ =	sdelay $0x3  }
0x37: {  	[smem:$0x3FBB] =	sst s10  }
0x38: {  	s10 =	sld [smem:$0x3FBC]  }
0x39: {  	_ = 	snop;
	(pc) =	sbr.ind lr, $3  }
0x3a: {  	_ = 	snop  }
0x3b: {  	_ = 	snop  }
0x3c: {  	p2 =	seq.s32 s10, $0x1;
	s10 =	sld [smem:$0x3FBB]  }
0x3d: {  	_ =	shalt  }
0x3e: {  	_ =	shalt  }
0x3f: {  	_ =	shalt  }
0x40: {  	_ =	shalt  }
0x41: {  	_ =	shalt  }
0x42: {  	_ =	shalt  }
0x43: {  	_ =	shalt  }
0x44: {  	_ =	shalt  }
0x45: {  	_ =	shalt  }
0x46: {  	_ =	shalt  }
0x47: {  	_ =	shalt  }
0x48: {  	_ =	shalt  }
0x49: {  	_ =	shalt  }
0x4a: {  	_ =	shalt  }
0x4b: {  	_ =	shalt  }
0x4c: {  	_ =	shalt  }
0x4d: {  	_ =	shalt  }
0x4e: {  	_ =	shalt  }
0x4f: {  	_ =	shalt  }
0x50: {  	_ =	shalt  }
0x51: {  	_ =	shalt  }
0x52: {  	_ =	shalt  }
0x53: {  	_ =	shalt  }
0x54: {  	_ =	shalt  }
0x55: {  	_ =	shalt  }
0x56: {  	_ =	shalt  }
0x57: {  	_ =	shalt  }
0x58: {  	_ =	shalt  }
0x59: {  	_ =	shalt  }
0x5a: {  	_ =	shalt  }
0x5b: {  	_ =	shalt  }
0x5c: {  	_ =	shalt  }
0x5d: {  	_ =	shalt  }
0x5e: {  	_ =	shalt  }
0x5f: {  	_ =	shalt  }
0x60: {  	_ =	shalt  }
0x61: {  	_ =	shalt  }
0x62: {  	_ =	shalt  }
0x63: {  	_ =	shalt  }
0x64: {  	_ =	shalt  }
0x65: {  	_ =	shalt  }
0x66: {  	_ =	shalt  }
0x67: {  	_ =	shalt  }
0x68: {  	_ =	shalt  }
0x69: {  	_ =	shalt  }
0x6a: {  	_ =	shalt  }
0x6b: {  	_ =	shalt  }
0x6c: {  	_ =	shalt  }
0x6d: {  	_ =	shalt  }
0x6e: {  	_ =	shalt  }
0x6f: {  	_ =	shalt  }
0x70: {  	_ =	shalt  }
0x71: {  	_ =	shalt  }
0x72: {  	_ =	shalt  }
0x73: {  	_ =	shalt  }
0x74: {  	_ =	shalt  }
0x75: {  	_ =	shalt  }
0x76: {  	_ =	shalt  }
0x77: {  	_ =	shalt  }
0x78: {  	_ =	shalt  }
0x79: {  	_ =	shalt  }
0x7a: {  	_ =	shalt  }
0x7b: {  	_ =	shalt  }
0x7c: {  	_ =	shalt  }
0x7d: {  	_ =	shalt  }
0x7e: {  	_ =	shalt  }
0x7f: {  	_ =	shalt  }
0x80: {  	_ =	shalt  }
0x81: {  	_ =	shalt  }
0x82: {  	_ =	shalt  }
0x83: {  	_ =	shalt  }
0x84: {  	_ =	shalt  }
0x85: {  	_ =	shalt  }
0x86: {  	_ =	shalt  }
0x87: {  	_ =	shalt  }
.Lfunc_end0:
.L_simem_size_0:
called_computation_lowered:
.L_overlay_start_0:
0x88: {  	s0 =	sld [smem:$0x3FD9]  }
0x89: {  	s1 =	sld [smem:$0x3FFE];
	_ =	sdelay $0x3  }
0x8a: {  	s0 =	sadd.s32 s1, s0  }
0x8b: {  	[smem:$0x3FC7] =	sst s0  }
0x8c: {  	_ = 	snop  }
0x8d: {  	s0 =	sld [smem:$0x3FC9];
	(tm) =	ssettm $0x1  }
0x8e: {  	s16 =	sld [smem:$0x3FFB];
	_ =	sdelay $0x3  }
0x8f: {  	_ =	strace s16  }
0x90: {  	s1 =	sld [smem:$0x3FFC];
	_ =	sdelay $0x3  }
0x91: {  	_ =	strace s1  }
0x92: {  	s1 =	sld [smem:$0x3FFD];
	_ =	sdelay $0x3  }
0x93: {  	_ =	strace s1  }
0x94: {  	_ =	strace $0x8FFFFFFF  }
0x95: {  	s17 =	sld [smem:$0x3FDB];
	_ =	sdelay $0x1  }
0x96: {  	s2 =	simm.s32 $_scs_section_size  }
0x97: {  	s3 =	simm.s32 $_size__tile_overlayer_lowered;
	s4 =	simm.s32 $_tile_overlayer_lowered  }
0x98: {  	s20 =	simm.s32 $0x1BFF;
	s19 =	sshll.u32 s4, $0x1;
	s1 =	sadd.s32 s2, s17  }
0x99: {  	s5 =	simm.s32 $0x0;
	s18 =	sshll.u32 s3, $0x1;
	s3 =	sadd.s32 s19, s1  }
0x9a: {  	[timem:s5], [sflag:s20] =	dma.local [hbm:s3], s18  }
0x9b: {  	_ =	swait.ge [sflag:s20], s18  }
0x9c: {  	s2 =	ssub.s32 $0x0, s18;
	[sflag:s20] =	ssyncset.done $0x0  }
0x9d: {  	[sflag:s20] =	ssyncadd.s32 s2;
	_ =	sdelay $0x1  }
0x9e: {  	s21 =	simm.s32 $0x1B8B  }
0x9f: {  	_ =	swait.ge [sflag:s21], $0x1  }
0xa0: {  	[sflag:s21] =	ssyncset.done $0x0  }
0xa1: {  	s23 =	simm.s32 $0x1B8E;
	s22 =	sld [smem:$0x3FFE];
	[sflag:s21] =	ssyncadd.s32 $0xFFFFFFFF  }
0xa2: {  	s24 =	simm.s32 $execute0_lowered;
	[smem:$0x3FD2] =	sst s23  }
0xa3: {  	s3 =	sshll.u32 s24, $0x1;
	_ =	strace $0x80000046;
	[dreg:$0x1] =	wrdreg $0xFFFFFFFF  }
0xa4: {  	s25 =	simm.s32 $_size_execute0_lowered;
	s1 =	sadd.s32 s1, s3;
	[dreg:$0x0] =	wrdreg $0x0  }
0xa5: {  	s3 =	sshll.u32 s25, $0x1;
	[dreg:$0x2] =	wrdreg s1  }
0xa6: {  	[dreg:$0x3] =	wrdreg s3  }
0xa7: {  	[dreg:$0x4] =	wrdreg $0xC0  }
0xa8: {  	_ =	task [dreg:s5], $0x5FFFF  }
0xa9: {  	[dreg:$0x1] =	wrdreg $0xFFFFFFFF  }
0xaa: {  	[dreg:$0x0] =	wrdreg $0x60  }
0xab: {  	[dreg:$0x2] =	wrdreg s0  }
0xac: {  	[dreg:$0x3] =	wrdreg s22  }
0xad: {  	[dreg:$0x4] =	wrdreg $0x18800  }
0xae: {  	[dreg:$0x5] =	wrdreg $0x9  }
0xaf: {  	_ =	task.clear_ibuf [dreg:s5], $0x6FFFF;
	_ =	strace $0x90000046  }
0xb0: {  	s26 =	simm.s32 $0x9;
	_ =	strace $0x80000048  }
0xb1: {  	_ =	swait.ge [sflag:s26], $0x1  }
0xb2: {  	[sflag:s26] =	ssyncadd.s32 $0xFFFFFFFF  }
0xb3: {  	_ =	strace $0x90000048  }
0xb4: {  	_ =	sfence  }
0xb5: {  	s28 =	sld [smem:$0x0];
	_ =	sdelay $0x1  }
0xb6: {  	s29 =	srdreg.scid  }
0xb7: {  	s30 =	sshll.u32 s29, $0xD;
	s31 =	sshrl.u32 s29, $0x2  }
0xb8: {  	s2 =	sand.u32 $0x4000, s30;
	s1 =	sand.u32 $0x1, s29;
	s0 =	sadd.s32 s31, s28  }
0xb9: {  	s1 =	sor.u32 s2, s1;
	s0 =	sshll.u32 s0, $0x11  }
0xba: {  	s0 =	sor.u32 s0, s1  }
0xbb: {  	s0 =	sadd.s32 $0x8F2B, s0  }
0xbc: {  	[sflag:s0] =	ssyncadd.remote.s32 $0x1  }
0xbd: {  	_ =	sfence.sel $0xFFFF  }
0xbe: {  	[dreg:$0x0] =	wrdreg $0xFFFFFFFF;
	(pc) =	sbr.abs _section_cstart, $3  }
0xbf: {  	[dreg:$0x1] =	wrdreg $0xFFFFFFFF  }
0xc0: {  	_ =	task.clear_ibuf [dreg:s5], $0x2FFFF;
	_ =	strace $0x9FFFFFFF  }
0xc1: {  	(tm) =	ssettm $0x7FFFFFFF  }
tec
execute0_lowered:
.L_overlay_start_1:
0x0: {  	(tag) =	ssettag $0x1  }
0x1: {  	s2 =	rddreg [dreg:$0x0]  }
0x2: {  	s3 =	rddreg [dreg:$0x1]  }
0x3: {  	s4 =	rddreg [dreg:$0x2];
	s1 =	stileid.u32  }
0x4: {  	s0 =	rddreg [dreg:$0x3];
	s5 =	simm.s32 $0x0;
	s6 =	sshll.u32 s1, $0x13  }
0x5: {  	s7 =	simm.s32 $0x80;
	[smem:$0x7FF] =	sst s5;
	s6 =	sadd.s32 s6, s2  }
0x6: {  	s8 =	simm.s32 $0x400;
	_ =	strace $0x80000047;
	s6 =	sadd.s32 $0x7F870, s6  }
0x7: {  	[tilespmem:s5], [sflag:$0x1] =	stream.strided.gather [hbm4b:s6+s7], $0x800, s8, s7, $0x38;
	[tilespmem:$0x1890] =	vst v63  }
0x8: {  	s30 =	simm.s32 $0x800;
	s31 =	simm.s32 $0x1;
	s2 =	sadd.s32 $0x67F870, s2  }
0x9: {  	[tilespmem:s30], [sflag:$0x2] =	stream.strided.gather [hbm4b:s2+s7], $0x800, s8, s7, $0x38;
	[tilespmem:$0x1890] =	vst v63  }
0xa: {  	_ =	swait.ge [sflag:s31], $0x800  }
0xb: {  	[sflag:s31] =	ssyncset.done $0x0  }
0xc: {  	[sflag:s31] =	ssyncadd.s32 $0xFFFFF800  }
0xd: {  	v1 =	vld [tilespmem:s5+$0x0];
	_ =	sdelay $0x3  }
0xe: {  	v2 =	vimm.f32 $-Inf;
	v3 =	vlaneseq.u32  }
0xf: {  	v0 =	vimm.s32 $0x0;
	v4 =	vor.u32 s5, v3;
	s2 =	sadd.s32 $0x600, s3;
	s3 =	simm.s32 $0x10;
	s5 =	simm.s32 $0x10;
	vm0 =	vgt.f32 v1, v2  }
.LBB2_1:
0x10: {  	p0 =	sne.s32 s3, $0x7F0;
	v2 =	vsel vm0, v1, v2;
	v1 =	vld [tilespmem:s5+$0x0];
	v0 =	vsel vm0, v4, v0;
	s6 =	smov.u32 s3;
	s3 =	sadd.s32 $0x10, s3  }
.Ltmp0:
0x11: {  	(pc) =	sbr.rel @p0 .LBB2_1-.Ltmp0, $2  }
0x12: {  	_ =	sdelay $0x2  }
0x13: {  	s5 =	sadd.s32 $0x10, s5;
	v4 =	vor.u32 s6, v3;
	vm0 =	vgt.f32 v1, v2  }
0x14: {  	v1 =	vsel vm0, v1, v2  }
0x15: {  	(xrf0) =	vmax.scan.msk.f32 $0xffff, v1;
	_ =	sdelay $0x5  }
0x16: {  	v33, _, _ =	vpop (xrf0)  }
0x17: {  	v2 =	vbroadcast v33, $0xF  }
0x18: {  	v0 =	vsel vm0, v4, v0  }
0x19: {  	v0 =	vxor.u32 $0x80000000, v0;
	vm12 =	veq.f32 v1, v2  }
0x1a: {  	v0 =	vnsel vm12, $0x80000800, v0  }
0x1b: {  	(xrf0) =	vmin.scan.msk.u32 $0xffff, v0;
	_ =	sdelay $0x5  }
0x1c: {  	v0, _, _ =	vpop (xrf0)  }
0x1d: {  	(v2sf) =	vpush v0, $0xF;
	_ =	sdelay $0xe  }
0x1e: {  	s3 =	spop (v2sf)  }
0x1f: {  	s3 =	sxor.u32 $0x80000000, s3  }
0x20: {  	s5 =	sshll.u32 s1, $0x7;
	v34 =	vmov s3  }
0x21: {  	s24 =	simm.s32 $0x1000;
	s25 =	simm.s32 $0x3;
	s23 =	sadd.s32 s5, s4;
	[tilespmem:$0x1000] =	vst v34  }
0x22: {  	[spmem:s23] =	stream.linear.scatter [tilespmem:s24], [sflag:$0x3], $0x80, $0x38;
	[tilespmem:$0x1890] =	vst v63  }
0x23: {  	_ =	swait.ge [sflag:s25], $0x80  }
0x24: {  	v35 =	vlaneseq.u32;
	[sflag:s25] =	ssyncset.done $0x0  }
0x25: {  	v0 =	vmul.u32 $0x81, v35;
	[sflag:s25] =	ssyncadd.s32 $0xFFFFFF80  }
0x26: {  	s26 =	simm.s32 $0x1080;
	[bflag:$0x0] =	sbarrier.arrive $0xFFFF  }
0x27: {  	[tilespmem:s26], [sflag:$0x3] =	stream.linear.gather [spmem:s4], $0x800, $0x38;
	[tilespmem:$0x1890] =	vst v63  }
0x28: {  	_ =	swait.ge [sflag:s25], $0x800  }
0x29: {  	[sflag:s25] =	ssyncset.done $0x0  }
0x2a: {  	[sflag:s25] =	ssyncadd.s32 $0xFFFFF800  }
0x2b: {  	v0 =	vld.idx.msk [tilespmem:v0+s26+$0x0], $0xffff  }
0x2c: {  	v36 =	vld [tilespmem:$0x1080]  }
0x2d: {  	v37 =	vld [tilespmem:$0x1100]  }
0x2e: {  	v3 =	vld [tilespmem:$0x1180]  }
0x2f: {  	v38 =	vld [tilespmem:$0x1200]  }
0x30: {  	v5 =	vld [tilespmem:$0x1280]  }
0x31: {  	v6 =	vld [tilespmem:$0x1300]  }
0x32: {  	v39 =	vimm.s32 $0x0;
	v40 =	vld [tilespmem:$0x1380];
	vm13 =	veq.s32 v0, v36;
	vm1 =	veq.s32 v0, v37  }
0x33: {  	v41 =	vld [tilespmem:$0x1400];
	vm14 =	veq.s32 v0, v3;
	v7 =	vsel vm13, $0x1, v39;
	v8 =	vsel vm1, $0x1, v39  }
0x34: {  	v43 =	vld [tilespmem:$0x1480];
	vm15 =	veq.s32 v0, v38;
	v42 =	vsel vm14, $0x1, v39;
	v7 =	vadd.s32 v7, v8  }
0x35: {  	v45 =	vld [tilespmem:$0x1500];
	vm4 =	veq.s32 v0, v5;
	v44 =	vsel vm15, $0x1, v39;
	v7 =	vadd.s32 v42, v7  }
0x36: {  	v47 =	vld [tilespmem:$0x1580];
	vm5 =	veq.s32 v0, v6;
	v46 =	vsel vm4, $0x1, v39;
	v7 =	vadd.s32 v44, v7  }
0x37: {  	v49 =	vld [tilespmem:$0x1600];
	vm6 =	veq.s32 v0, v40;
	v48 =	vsel vm5, $0x1, v39;
	v7 =	vadd.s32 v46, v7  }
0x38: {  	v51 =	vld [tilespmem:$0x1680];
	vm7 =	veq.s32 v0, v41;
	v50 =	vsel vm6, $0x1, v39;
	v7 =	vadd.s32 v48, v7  }
0x39: {  	v53 =	vld [tilespmem:$0x1700];
	vm8 =	veq.s32 v0, v43;
	v52 =	vsel vm7, $0x1, v39;
	v7 =	vadd.s32 v50, v7  }
0x3a: {  	v55 =	vld [tilespmem:$0x1780];
	vm9 =	veq.s32 v0, v45;
	v54 =	vsel vm8, $0x1, v39;
	v7 =	vadd.s32 v52, v7  }
0x3b: {  	v57 =	vld [tilespmem:$0x1800];
	vm10 =	veq.s32 v0, v47;
	v56 =	vsel vm9, $0x1, v39;
	v7 =	vadd.s32 v54, v7  }
0x3c: {  	vm11 =	veq.s32 v0, v49;
	v58 =	vsel vm10, $0x1, v39;
	v7 =	vadd.s32 v56, v7  }
0x3d: {  	vm12 =	veq.s32 v0, v51;
	v60 =	vsel vm11, $0x1, v39;
	v59 =	vadd.s32 v58, v7  }
0x3e: {  	v3 =	vsel vm12, $0x1, v39;
	vm13 =	veq.s32 v0, v53;
	v2 =	vadd.s32 v60, v59  }
0x3f: {  	vm14 =	veq.s32 v0, v55;
	v61 =	vsel vm13, $0x1, v39;
	v2 =	vadd.s32 v3, v2  }
0x40: {  	vm15 =	veq.s32 v0, v57;
	v62 =	vsel vm14, $0x1, v39;
	v63 =	vadd.s32 v61, v2  }
0x41: {  	v1 =	vsel vm15, $0x1, v39;
	v0 =	vadd.s32 v62, v63  }
0x42: {  	v0 =	vadd.s32 v1, v0  }
0x43: {  	v0 =	vxor.u32 $0x80000000, v0  }
0x44: {  	(xrf0) =	vmax.scan.msk.u32 $0xffff, v0;
	_ =	sdelay $0x5  }
0x45: {  	v0, _, _ =	vpop (xrf0)  }
0x46: {  	(v2sf) =	vpush v0, $0xF;
	_ =	sdelay $0xc  }
0x47: {  	s29 =	sshll.u32 s1, $0x4  }
0x48: {  	s28 =	sshll.u32 s1, $0x8;
	s7 =	simm.s32 $0x2;
	s5 =	sand.u32 $0x70, s29  }
0x49: {  	s2 =	sadd.s32 s2, s5;
	s4 =	sand.u32 $0x800, s28;
	s6 =	spop (v2sf)  }
0x4a: {  	s30 =	simm.s32 $0x80;
	s2 =	sadd.s32 s4, s2;
	_ =	swait.ge [sflag:s7], $0x800  }
0x4b: {  	s4 =	simm.s32 $0x800;
	p0 =	slt.u32 s6, $0x80000009;
	[sflag:s7] =	ssyncset.done $0x0  }
0x4c: {  	s31 =	simm.s32 $0x400;
	s4 =	simm.s32 @!p0 $0x0;
	[sflag:s7] =	ssyncadd.s32 $0xFFFFF800  }
0x4d: {  	[hbm4b:s2+s30] =	stream.strided.scatter [tilespmem:s4], [sflag:$0x3], $0x800, s31, s30, $0x38;
	[tilespmem:$0x1890] =	vst v63  }
0x4e: {  	_ =	swait.ge [sflag:s25], $0x800  }
0x4f: {  	[sflag:s25] =	ssyncset.done $0x0  }
0x50: {  	[sflag:s25] =	ssyncadd.s32 $0xFFFFF800  }
0x51: {  	_ =	sfence.sel $0x180000  }
0x52: {  	[bflag:$0x0] =	sbarrier.arrive $0xFFFF  }
0x53: {  	p0 =	sne.s32 s1, $0x0;
	_ =	strace $0x90000047  }
0x54: {  	s0 =	sadd.s32 @!p0 $0x100000, s0;
	[bflag:$0x2] =	sbarrier.arrive $0xFFFF  }
0x55: {  	[sflag:s0] =	ssyncadd.tile.s32 @!p0 $0x1;
	_ =	shalt  }
.Lfunc_end2:
_tile_overlayer_lowered:
.L_overlay_start_2:
0x56: {  	(tag) =	ssettag $0x2  }
0x57: {  	s0 =	rddreg [dreg:$0x0];
	s2 =	stileid.u32  }
0x58: {  	s1 =	rddreg [dreg:$0x1];
	p0 =	sne.s32 s2, $0x0  }
0x59: {  	s3 =	rddreg [dreg:$0x2];
	[bflag:$0x3] =	sbarrier.arrive $0xFFFF;
	s2 =	simm.s32 @!p0 $0x1C03  }
0x5a: {  	[timem:s3], [sflag:s2] =	dma.local @!p0 [hbm:s0], s1  }
0x5b: {  	s0 =	simm.s32 @!p0 $0x3  }
0x5c: {  	_ =	swait.ge @!p0 [sflag:s0], s1  }
0x5d: {  	s1 =	ssub.s32 @!p0 $0x0, s1;
	[sflag:s0] =	ssyncset.done @!p0 $0x0  }
0x5e: {  	[sflag:s0] =	ssyncadd.s32 @!p0 s1  }
0x5f: {  	[bflag:$0x3] =	sbarrier.arrive $0xFFFF  }
0x60: {  	_ =	shalt  }

</sc_bundles>
